<compile_context>
chip_gen: v7x
topology: tpu7x:2x2x1
jax: 0.10.2.dev20260603
libtpu: 0.0.44.dev20260713+nightly
codegen_flags: <defaults>
</compile_context>

<pallas_src>
import functools

import jax
import jax.numpy as jnp
from jax import lax
from jax.experimental import pallas as pl
from jax.experimental.pallas import tpu as pltpu
from jax.experimental.pallas import tpu_sc as plsc

_B = 16384
_EMB = 128
_NG = 100

_NC, _NS = 2, 16
_NW = _NC * _NS
_BPW = _B // _NW
_CHUNK = 128
_NCHUNK = _BPW // _CHUNK


_NR = 1000
_TSHARD = 64


def _sc_gather(table, x):
  mesh = plsc.VectorSubcoreMesh(core_axis_name="c", subcore_axis_name="s")

  @functools.partial(
      pl.kernel,
      mesh=mesh,
      out_type=jax.ShapeDtypeStruct((_B, 2 * _EMB), jnp.float32),
      scratch_types=[
          pltpu.VMEM((_BPW,), jnp.int32),
          pltpu.VMEM((_BPW, _EMB), jnp.float32),
          pltpu.VMEM_SHARED((_NR, _EMB), jnp.float32),
          pltpu.SemaphoreType.DMA,
          pltpu.SemaphoreType.DMA,
      ],
  )
  def body(table_hbm, idx_hbm, out_hbm, idx_v, rows_v, tab_sp, sem, wsem):
    cid = lax.axis_index("c")
    sid = lax.axis_index("s")
    wid = sid * _NC + cid
    base = wid * _BPW
    srow = jnp.minimum(sid * _TSHARD, _NR - _TSHARD)
    stage = pltpu.async_copy(table_hbm.at[pl.ds(srow, _TSHARD)],
                             tab_sp.at[pl.ds(srow, _TSHARD)], sem)
    idx_copy = pltpu.async_copy(idx_hbm.at[pl.ds(base, _BPW)], idx_v, sem)
    stage.wait()
    idx_copy.wait()
    plsc.subcore_barrier()
    copies = [
        pltpu.async_copy(tab_sp.at[idx_v.at[pl.ds(j * _CHUNK, _CHUNK)]],
                         rows_v.at[pl.ds(j * _CHUNK, _CHUNK)], sem)
        for j in range(_NCHUNK)
    ]
    writes = []
    for j in range(_NCHUNK):
      copies[j].wait()
      writes.append(pltpu.async_copy(
          rows_v.at[pl.ds(j * _CHUNK, _CHUNK)],
          out_hbm.at[pl.ds(base + j * _CHUNK, _CHUNK), pl.ds(0, _EMB)],
          wsem))
    for w in writes:
      w.wait()

  return body(table, x)


_BM = 8192


def _tc_body(x_ref, w_ref, buf_ref, out_ref):
  del buf_ref
  xb = x_ref[...]
  xbf = xb.astype(jnp.bfloat16)
  w101 = jnp.concatenate(
      [jnp.zeros((_EMB, 1), jnp.bfloat16), w_ref[...].astype(jnp.bfloat16)],
      axis=1)
  acc = lax.dot_general(xbf, w101,
                        (((1,), (1,)), ((), ())),
                        preferred_element_type=jnp.float32)
  xf = xb.astype(jnp.float32)
  cnt = (jnp.sum(xf, axis=1, keepdims=True) - xf[:, 0:1])
  out_ref[...] = acc / cnt


def _tc_fuse(x, buf, w_aug):
  grid = (_B // _BM,)
  return pl.pallas_call(
      _tc_body,
      grid=grid,
      in_specs=[
          pl.BlockSpec((_BM, 1 + _NG), lambda i: (i, 0)),
          pl.BlockSpec((_EMB, _NG), lambda i: (0, 0)),
          pl.BlockSpec(memory_space=pltpu.MemorySpace.HBM),
      ],
      out_specs=pl.BlockSpec((_BM, _EMB), lambda i: (i, 1)),
      out_shape=jax.ShapeDtypeStruct((_B, 2 * _EMB), jnp.float32),
      input_output_aliases={2: 0},
      compiler_params=pltpu.CompilerParams(
          dimension_semantics=("parallel",),
      ),
  )(x, w_aug, buf)


def kernel(x, embedding_rate, genre_weight):
  buf = _sc_gather(embedding_rate, x[:, 0])
  return _tc_fuse(x.astype(jnp.int8), buf, genre_weight)

# --- scband reference (transcript-rebuilt; emitter-appended) ---
"""Pipeline reference for scband-item-ml-16071767622200 (READ-ONLY COPY).

The authoritative reference and input builder live on the scoring server;
editing this copy changes nothing except your own understanding.
"""

import jax, jax.numpy as jnp
import numpy as np

NUM_RATE = 1000
NUM_GENRE = 100
EMB = 128
B = 16384


def setup_inputs(seed: int = 0) -> dict:
    key = jax.random.key(seed)
    k1, k2, k3 = jax.random.split(key, 3)
    # x: column 0 = rate index, columns 1: = multi-hot genre indicators (0/1)
    x = jax.random.randint(k1, (B, 1 + NUM_GENRE), 0, 2).astype(jnp.int32)
    # learned params
    embedding_rate = jax.random.normal(k2, (NUM_RATE, EMB), dtype=jnp.float32)
    # torch nn.Linear(in=NUM_GENRE, out=EMB, bias=False) weight has shape [EMB, NUM_GENRE]
    genre_weight = jax.random.normal(k3, (EMB, NUM_GENRE), dtype=jnp.float32) * 0.05
    return {"x": x, "embedding_rate": embedding_rate, "genre_weight": genre_weight}


def reference(x, embedding_rate, genre_weight):
    rate_idx = x[:, 0]
    genre_idx = x[:, 1:].astype(jnp.float32)
    # embedding lookup -> gather
    rate_emb = jnp.take(embedding_rate, rate_idx, axis=0)
    # linear (no bias): y = genre @ W^T, then normalize by multi-hot count
    genre_emb = genre_idx @ genre_weight.T
    genre_emb = genre_emb / jnp.sum(genre_idx, axis=1).reshape(-1, 1)
    temp_item_emb = jnp.concatenate((rate_emb, genre_emb), axis=1)
    return temp_item_emb

if __name__ == "__main__":
    import jax
    _d = setup_inputs()
    print(jax.jit(kernel)(*tuple(_d.values())))

</pallas_src>

<mosaic_0001>
#map = affine_map<(d0, d1) -> (0, 0)>
#map1 = affine_map<(d0, d1) -> (0)>
module attributes {stable_mosaic.version = 14 : i64} {
  func.func @body(%arg0: i32, %arg1: i32, %arg2: memref<1000x128xf32, #tpu.memory_space<hbm>>, %arg3: memref<16384xi32, #tpu.memory_space<hbm>>, %arg4: memref<16384x256xf32, #tpu.memory_space<hbm>>, %arg5: memref<512xi32, #tpu.memory_space<vmem>>, %arg6: memref<512x128xf32, #tpu.memory_space<vmem>>, %arg7: memref<1000x128xf32, #tpu.memory_space<vmem_shared>>, %arg8: memref<!tpu.dma_semaphore, #tpu.memory_space<semaphore_mem>>, %arg9: memref<!tpu.dma_semaphore, #tpu.memory_space<semaphore_mem>>) attributes {dimension_semantics = [#tpu.dimension_semantics<core_parallel>, #tpu.dimension_semantics<subcore_parallel>], iteration_bounds = array<i64: 2, 16>, scalar_prefetch = 0 : i64, scratch_operands = 5 : i64, tpu.core_type = #tpu.core_type<sc_vector_subcore>, window_params = [{transform_indices = #map}, {transform_indices = #map1}, {transform_indices = #map}]} {
    %mul3A = arith.constant 2 : i32
    %mul3A_0 = arith.muli %arg1, %mul3A : i32
    %add3A = arith.addi %mul3A_0, %arg0 : i32
    %mul3A_1 = arith.constant 512 : i32
    %mul3A_2 = arith.muli %add3A, %mul3A_1 : i32
    %mul3A_3 = arith.constant 64 : i32
    %mul3A_4 = arith.muli %arg1, %mul3A_3 : i32
    %min3A = arith.constant 936 : i32
    %min3A_5 = arith.minsi %mul3A_4, %min3A : i32
    %dma_start3A = arith.constant 0 : i32
    %dma_start3A_6 = tpu.memref_slice %arg7[%min3A_5, %dma_start3A] : memref<1000x128xf32, #tpu.memory_space<vmem_shared>> -> memref<64x128xf32, #tpu.memory_space<vmem_shared>>
    %dma_start3A_7 = arith.constant 0 : i32
    %dma_start3A_8 = tpu.memref_slice %arg2[%min3A_5, %dma_start3A_7] : memref<1000x128xf32, #tpu.memory_space<hbm>> -> memref<64x128xf32, #tpu.memory_space<hbm>>
    tpu.enqueue_dma source(%dma_start3A_8 : memref<64x128xf32, #tpu.memory_space<hbm>>) target(%dma_start3A_6 : memref<64x128xf32, #tpu.memory_space<vmem_shared>>) target_semaphore(%arg8 : memref<!tpu.dma_semaphore, #tpu.memory_space<semaphore_mem>>)
    %dma_start3A_9 = tpu.memref_slice %arg3[%mul3A_2] : memref<16384xi32, #tpu.memory_space<hbm>> -> memref<512xi32, #tpu.memory_space<hbm>>
    %dma_start3A_10 = tpu.memref_slice %arg3[%mul3A_2] : memref<16384xi32, #tpu.memory_space<hbm>> -> memref<512xi32, #tpu.memory_space<hbm>>
    tpu.enqueue_dma source(%dma_start3A_10 : memref<512xi32, #tpu.memory_space<hbm>>) target(%arg5 : memref<512xi32, #tpu.memory_space<vmem>>) target_semaphore(%arg8 : memref<!tpu.dma_semaphore, #tpu.memory_space<semaphore_mem>>)
    %dma_wait3A = arith.constant 0 : i32
    %dma_wait3A_11 = tpu.memref_slice %arg7[%min3A_5, %dma_wait3A] : memref<1000x128xf32, #tpu.memory_space<vmem_shared>> -> memref<64x128xf32, #tpu.memory_space<vmem_shared>>
    %dma_wait3A_12 = arith.constant 0 : i32
    %dma_wait3A_13 = tpu.memref_slice %arg2[%min3A_5, %dma_wait3A_12] : memref<1000x128xf32, #tpu.memory_space<hbm>> -> memref<64x128xf32, #tpu.memory_space<hbm>>
    tpu.wait_dma2 semaphore(%arg8 : memref<!tpu.dma_semaphore, #tpu.memory_space<semaphore_mem>>) src(%dma_wait3A_13 : memref<64x128xf32, #tpu.memory_space<hbm>>) dst(%dma_wait3A_11 : memref<64x128xf32, #tpu.memory_space<vmem_shared>>)
    %dma_wait3A_14 = tpu.memref_slice %arg3[%mul3A_2] : memref<16384xi32, #tpu.memory_space<hbm>> -> memref<512xi32, #tpu.memory_space<hbm>>
    %dma_wait3A_15 = tpu.memref_slice %arg3[%mul3A_2] : memref<16384xi32, #tpu.memory_space<hbm>> -> memref<512xi32, #tpu.memory_space<hbm>>
    tpu.wait_dma2 semaphore(%arg8 : memref<!tpu.dma_semaphore, #tpu.memory_space<semaphore_mem>>) src(%dma_wait3A_15 : memref<512xi32, #tpu.memory_space<hbm>>) dst(%arg5 : memref<512xi32, #tpu.memory_space<vmem>>)
    %barrier3A = arith.constant 0 : index
    tpu.barrier barrier_id(%barrier3A)
    %dma_start3A_16 = arith.constant 0 : i32
    %dma_start3A_17 = arith.constant 0 : i32
    %dma_start3A_18 = tpu.memref_slice %arg6[%dma_start3A_16, %dma_start3A_17] : memref<512x128xf32, #tpu.memory_space<vmem>> -> memref<128x128xf32, #tpu.memory_space<vmem>>
    %dma_start3A_19 = arith.constant 0 : i32
    %dma_start3A_20 = tpu.memref_slice %arg5[%dma_start3A_19] : memref<512xi32, #tpu.memory_space<vmem>> -> memref<128xi32, #tpu.memory_space<vmem>>
    %dma_start3A_21 = arith.constant 0 : i32
    %dma_start3A_22 = arith.constant 0 : i32
    %dma_start3A_23 = tpu.memref_slice %arg7[%dma_start3A_21, %dma_start3A_22] : memref<1000x128xf32, #tpu.memory_space<vmem_shared>> -> memref<1000x128xf32, #tpu.memory_space<vmem_shared>>
    tpu.enqueue_indirect_dma source(%dma_start3A_23 : memref<1000x128xf32, #tpu.memory_space<vmem_shared>>) target(%dma_start3A_18 : memref<128x128xf32, #tpu.memory_space<vmem>>) offsets(%dma_start3A_20 : memref<128xi32, #tpu.memory_space<vmem>>) semaphore(%arg8 : memref<!tpu.dma_semaphore, #tpu.memory_space<semaphore_mem>>)
    %dma_start3A_24 = arith.constant 128 : i32
    %dma_start3A_25 = arith.constant 0 : i32
    %dma_start3A_26 = tpu.memref_slice %arg6[%dma_start3A_24, %dma_start3A_25] : memref<512x128xf32, #tpu.memory_space<vmem>> -> memref<128x128xf32, #tpu.memory_space<vmem>>
    %dma_start3A_27 = arith.constant 128 : i32
    %dma_start3A_28 = tpu.memref_slice %arg5[%dma_start3A_27] : memref<512xi32, #tpu.memory_space<vmem>> -> memref<128xi32, #tpu.memory_space<vmem>>
    %dma_start3A_29 = arith.constant 0 : i32
    %dma_start3A_30 = arith.constant 0 : i32
    %dma_start3A_31 = tpu.memref_slice %arg7[%dma_start3A_29, %dma_start3A_30] : memref<1000x128xf32, #tpu.memory_space<vmem_shared>> -> memref<1000x128xf32, #tpu.memory_space<vmem_shared>>
    tpu.enqueue_indirect_dma source(%dma_start3A_31 : memref<1000x128xf32, #tpu.memory_space<vmem_shared>>) target(%dma_start3A_26 : memref<128x128xf32, #tpu.memory_space<vmem>>) offsets(%dma_start3A_28 : memref<128xi32, #tpu.memory_space<vmem>>) semaphore(%arg8 : memref<!tpu.dma_semaphore, #tpu.memory_space<semaphore_mem>>)
    %dma_start3A_32 = arith.constant 256 : i32
    %dma_start3A_33 = arith.constant 0 : i32
    %dma_start3A_34 = tpu.memref_slice %arg6[%dma_start3A_32, %dma_start3A_33] : memref<512x128xf32, #tpu.memory_space<vmem>> -> memref<128x128xf32, #tpu.memory_space<vmem>>
    %dma_start3A_35 = arith.constant 256 : i32
    %dma_start3A_36 = tpu.memref_slice %arg5[%dma_start3A_35] : memref<512xi32, #tpu.memory_space<vmem>> -> memref<128xi32, #tpu.memory_space<vmem>>
    %dma_start3A_37 = arith.constant 0 : i32
    %dma_start3A_38 = arith.constant 0 : i32
    %dma_start3A_39 = tpu.memref_slice %arg7[%dma_start3A_37, %dma_start3A_38] : memref<1000x128xf32, #tpu.memory_space<vmem_shared>> -> memref<1000x128xf32, #tpu.memory_space<vmem_shared>>
    tpu.enqueue_indirect_dma source(%dma_start3A_39 : memref<1000x128xf32, #tpu.memory_space<vmem_shared>>) target(%dma_start3A_34 : memref<128x128xf32, #tpu.memory_space<vmem>>) offsets(%dma_start3A_36 : memref<128xi32, #tpu.memory_space<vmem>>) semaphore(%arg8 : memref<!tpu.dma_semaphore, #tpu.memory_space<semaphore_mem>>)
    %dma_start3A_40 = arith.constant 384 : i32
    %dma_start3A_41 = arith.constant 0 : i32
    %dma_start3A_42 = tpu.memref_slice %arg6[%dma_start3A_40, %dma_start3A_41] : memref<512x128xf32, #tpu.memory_space<vmem>> -> memref<128x128xf32, #tpu.memory_space<vmem>>
    %dma_start3A_43 = arith.constant 384 : i32
    %dma_start3A_44 = tpu.memref_slice %arg5[%dma_start3A_43] : memref<512xi32, #tpu.memory_space<vmem>> -> memref<128xi32, #tpu.memory_space<vmem>>
    %dma_start3A_45 = arith.constant 0 : i32
    %dma_start3A_46 = arith.constant 0 : i32
    %dma_start3A_47 = tpu.memref_slice %arg7[%dma_start3A_45, %dma_start3A_46] : memref<1000x128xf32, #tpu.memory_space<vmem_shared>> -> memref<1000x128xf32, #tpu.memory_space<vmem_shared>>
    tpu.enqueue_indirect_dma source(%dma_start3A_47 : memref<1000x128xf32, #tpu.memory_space<vmem_shared>>) target(%dma_start3A_42 : memref<128x128xf32, #tpu.memory_space<vmem>>) offsets(%dma_start3A_44 : memref<128xi32, #tpu.memory_space<vmem>>) semaphore(%arg8 : memref<!tpu.dma_semaphore, #tpu.memory_space<semaphore_mem>>)
    %dma_wait3A_48 = arith.constant 0 : i32
    %dma_wait3A_49 = arith.constant 0 : i32
    %dma_wait3A_50 = tpu.memref_slice %arg6[%dma_wait3A_48, %dma_wait3A_49] : memref<512x128xf32, #tpu.memory_space<vmem>> -> memref<128x128xf32, #tpu.memory_space<vmem>>
    %dma_wait3A_51 = arith.constant 0 : i32
    %dma_wait3A_52 = tpu.memref_slice %arg5[%dma_wait3A_51] : memref<512xi32, #tpu.memory_space<vmem>> -> memref<128xi32, #tpu.memory_space<vmem>>
    %dma_wait3A_53 = arith.constant 0 : i32
    %dma_wait3A_54 = arith.constant 0 : i32
    %dma_wait3A_55 = tpu.memref_slice %arg7[%dma_wait3A_53, %dma_wait3A_54] : memref<1000x128xf32, #tpu.memory_space<vmem_shared>> -> memref<1000x128xf32, #tpu.memory_space<vmem_shared>>
    tpu.wait_indirect_dma semaphore(%arg8 : memref<!tpu.dma_semaphore, #tpu.memory_space<semaphore_mem>>) src(%dma_wait3A_55 : memref<1000x128xf32, #tpu.memory_space<vmem_shared>>) dst(%dma_wait3A_50 : memref<128x128xf32, #tpu.memory_space<vmem>>)
    %add3A_56 = arith.constant 0 : i32
    %add3A_57 = arith.addi %mul3A_2, %add3A_56 : i32
    %dma_start3A_58 = arith.constant 0 : i32
    %dma_start3A_59 = arith.constant 0 : i32
    %dma_start3A_60 = tpu.memref_slice %arg6[%dma_start3A_58, %dma_start3A_59] : memref<512x128xf32, #tpu.memory_space<vmem>> -> memref<128x128xf32, #tpu.memory_space<vmem>>
    %dma_start3A_61 = arith.constant 0 : i32
    %dma_start3A_62 = tpu.memref_slice %arg4[%add3A_57, %dma_start3A_61] : memref<16384x256xf32, #tpu.memory_space<hbm>> -> memref<128x128xf32, #tpu.memory_space<hbm>>
    %dma_start3A_63 = arith.constant 0 : i32
    %dma_start3A_64 = tpu.memref_slice %arg4[%add3A_57, %dma_start3A_63] : memref<16384x256xf32, #tpu.memory_space<hbm>> -> memref<128x128xf32, #tpu.memory_space<hbm>>
    %dma_start3A_65 = arith.constant 0 : i32
    %dma_start3A_66 = arith.constant 0 : i32
    %dma_start3A_67 = tpu.memref_slice %arg6[%dma_start3A_65, %dma_start3A_66] : memref<512x128xf32, #tpu.memory_space<vmem>> -> memref<128x128xf32, #tpu.memory_space<vmem>>
    tpu.enqueue_dma source(%dma_start3A_67 : memref<128x128xf32, #tpu.memory_space<vmem>>) target(%dma_start3A_64 : memref<128x128xf32, #tpu.memory_space<hbm>>) target_semaphore(%arg9 : memref<!tpu.dma_semaphore, #tpu.memory_space<semaphore_mem>>)
    %dma_wait3A_68 = arith.constant 128 : i32
    %dma_wait3A_69 = arith.constant 0 : i32
    %dma_wait3A_70 = tpu.memref_slice %arg6[%dma_wait3A_68, %dma_wait3A_69] : memref<512x128xf32, #tpu.memory_space<vmem>> -> memref<128x128xf32, #tpu.memory_space<vmem>>
    %dma_wait3A_71 = arith.constant 128 : i32
    %dma_wait3A_72 = tpu.memref_slice %arg5[%dma_wait3A_71] : memref<512xi32, #tpu.memory_space<vmem>> -> memref<128xi32, #tpu.memory_space<vmem>>
    %dma_wait3A_73 = arith.constant 0 : i32
    %dma_wait3A_74 = arith.constant 0 : i32
    %dma_wait3A_75 = tpu.memref_slice %arg7[%dma_wait3A_73, %dma_wait3A_74] : memref<1000x128xf32, #tpu.memory_space<vmem_shared>> -> memref<1000x128xf32, #tpu.memory_space<vmem_shared>>
    tpu.wait_indirect_dma semaphore(%arg8 : memref<!tpu.dma_semaphore, #tpu.memory_space<semaphore_mem>>) src(%dma_wait3A_75 : memref<1000x128xf32, #tpu.memory_space<vmem_shared>>) dst(%dma_wait3A_70 : memref<128x128xf32, #tpu.memory_space<vmem>>)
    %add3A_76 = arith.constant 128 : i32
    %add3A_77 = arith.addi %mul3A_2, %add3A_76 : i32
    %dma_start3A_78 = arith.constant 128 : i32
    %dma_start3A_79 = arith.constant 0 : i32
    %dma_start3A_80 = tpu.memref_slice %arg6[%dma_start3A_78, %dma_start3A_79] : memref<512x128xf32, #tpu.memory_space<vmem>> -> memref<128x128xf32, #tpu.memory_space<vmem>>
    %dma_start3A_81 = arith.constant 0 : i32
    %dma_start3A_82 = tpu.memref_slice %arg4[%add3A_77, %dma_start3A_81] : memref<16384x256xf32, #tpu.memory_space<hbm>> -> memref<128x128xf32, #tpu.memory_space<hbm>>
    %dma_start3A_83 = arith.constant 0 : i32
    %dma_start3A_84 = tpu.memref_slice %arg4[%add3A_77, %dma_start3A_83] : memref<16384x256xf32, #tpu.memory_space<hbm>> -> memref<128x128xf32, #tpu.memory_space<hbm>>
    %dma_start3A_85 = arith.constant 128 : i32
    %dma_start3A_86 = arith.constant 0 : i32
    %dma_start3A_87 = tpu.memref_slice %arg6[%dma_start3A_85, %dma_start3A_86] : memref<512x128xf32, #tpu.memory_space<vmem>> -> memref<128x128xf32, #tpu.memory_space<vmem>>
    tpu.enqueue_dma source(%dma_start3A_87 : memref<128x128xf32, #tpu.memory_space<vmem>>) target(%dma_start3A_84 : memref<128x128xf32, #tpu.memory_space<hbm>>) target_semaphore(%arg9 : memref<!tpu.dma_semaphore, #tpu.memory_space<semaphore_mem>>)
    %dma_wait3A_88 = arith.constant 256 : i32
    %dma_wait3A_89 = arith.constant 0 : i32
    %dma_wait3A_90 = tpu.memref_slice %arg6[%dma_wait3A_88, %dma_wait3A_89] : memref<512x128xf32, #tpu.memory_space<vmem>> -> memref<128x128xf32, #tpu.memory_space<vmem>>
    %dma_wait3A_91 = arith.constant 256 : i32
    %dma_wait3A_92 = tpu.memref_slice %arg5[%dma_wait3A_91] : memref<512xi32, #tpu.memory_space<vmem>> -> memref<128xi32, #tpu.memory_space<vmem>>
    %dma_wait3A_93 = arith.constant 0 : i32
    %dma_wait3A_94 = arith.constant 0 : i32
    %dma_wait3A_95 = tpu.memref_slice %arg7[%dma_wait3A_93, %dma_wait3A_94] : memref<1000x128xf32, #tpu.memory_space<vmem_shared>> -> memref<1000x128xf32, #tpu.memory_space<vmem_shared>>
    tpu.wait_indirect_dma semaphore(%arg8 : memref<!tpu.dma_semaphore, #tpu.memory_space<semaphore_mem>>) src(%dma_wait3A_95 : memref<1000x128xf32, #tpu.memory_space<vmem_shared>>) dst(%dma_wait3A_90 : memref<128x128xf32, #tpu.memory_space<vmem>>)
    %add3A_96 = arith.constant 256 : i32
    %add3A_97 = arith.addi %mul3A_2, %add3A_96 : i32
    %dma_start3A_98 = arith.constant 256 : i32
    %dma_start3A_99 = arith.constant 0 : i32
    %dma_start3A_100 = tpu.memref_slice %arg6[%dma_start3A_98, %dma_start3A_99] : memref<512x128xf32, #tpu.memory_space<vmem>> -> memref<128x128xf32, #tpu.memory_space<vmem>>
    %dma_start3A_101 = arith.constant 0 : i32
    %dma_start3A_102 = tpu.memref_slice %arg4[%add3A_97, %dma_start3A_101] : memref<16384x256xf32, #tpu.memory_space<hbm>> -> memref<128x128xf32, #tpu.memory_space<hbm>>
    %dma_start3A_103 = arith.constant 0 : i32
    %dma_start3A_104 = tpu.memref_slice %arg4[%add3A_97, %dma_start3A_103] : memref<16384x256xf32, #tpu.memory_space<hbm>> -> memref<128x128xf32, #tpu.memory_space<hbm>>
    %dma_start3A_105 = arith.constant 256 : i32
    %dma_start3A_106 = arith.constant 0 : i32
    %dma_start3A_107 = tpu.memref_slice %arg6[%dma_start3A_105, %dma_start3A_106] : memref<512x128xf32, #tpu.memory_space<vmem>> -> memref<128x128xf32, #tpu.memory_space<vmem>>
    tpu.enqueue_dma source(%dma_start3A_107 : memref<128x128xf32, #tpu.memory_space<vmem>>) target(%dma_start3A_104 : memref<128x128xf32, #tpu.memory_space<hbm>>) target_semaphore(%arg9 : memref<!tpu.dma_semaphore, #tpu.memory_space<semaphore_mem>>)
    %dma_wait3A_108 = arith.constant 384 : i32
    %dma_wait3A_109 = arith.constant 0 : i32
    %dma_wait3A_110 = tpu.memref_slice %arg6[%dma_wait3A_108, %dma_wait3A_109] : memref<512x128xf32, #tpu.memory_space<vmem>> -> memref<128x128xf32, #tpu.memory_space<vmem>>
    %dma_wait3A_111 = arith.constant 384 : i32
    %dma_wait3A_112 = tpu.memref_slice %arg5[%dma_wait3A_111] : memref<512xi32, #tpu.memory_space<vmem>> -> memref<128xi32, #tpu.memory_space<vmem>>
    %dma_wait3A_113 = arith.constant 0 : i32
    %dma_wait3A_114 = arith.constant 0 : i32
    %dma_wait3A_115 = tpu.memref_slice %arg7[%dma_wait3A_113, %dma_wait3A_114] : memref<1000x128xf32, #tpu.memory_space<vmem_shared>> -> memref<1000x128xf32, #tpu.memory_space<vmem_shared>>
    tpu.wait_indirect_dma semaphore(%arg8 : memref<!tpu.dma_semaphore, #tpu.memory_space<semaphore_mem>>) src(%dma_wait3A_115 : memref<1000x128xf32, #tpu.memory_space<vmem_shared>>) dst(%dma_wait3A_110 : memref<128x128xf32, #tpu.memory_space<vmem>>)
    %add3A_116 = arith.constant 384 : i32
    %add3A_117 = arith.addi %mul3A_2, %add3A_116 : i32
    %dma_start3A_118 = arith.constant 384 : i32
    %dma_start3A_119 = arith.constant 0 : i32
    %dma_start3A_120 = tpu.memref_slice %arg6[%dma_start3A_118, %dma_start3A_119] : memref<512x128xf32, #tpu.memory_space<vmem>> -> memref<128x128xf32, #tpu.memory_space<vmem>>
    %dma_start3A_121 = arith.constant 0 : i32
    %dma_start3A_122 = tpu.memref_slice %arg4[%add3A_117, %dma_start3A_121] : memref<16384x256xf32, #tpu.memory_space<hbm>> -> memref<128x128xf32, #tpu.memory_space<hbm>>
    %dma_start3A_123 = arith.constant 0 : i32
    %dma_start3A_124 = tpu.memref_slice %arg4[%add3A_117, %dma_start3A_123] : memref<16384x256xf32, #tpu.memory_space<hbm>> -> memref<128x128xf32, #tpu.memory_space<hbm>>
    %dma_start3A_125 = arith.constant 384 : i32
    %dma_start3A_126 = arith.constant 0 : i32
    %dma_start3A_127 = tpu.memref_slice %arg6[%dma_start3A_125, %dma_start3A_126] : memref<512x128xf32, #tpu.memory_space<vmem>> -> memref<128x128xf32, #tpu.memory_space<vmem>>
    tpu.enqueue_dma source(%dma_start3A_127 : memref<128x128xf32, #tpu.memory_space<vmem>>) target(%dma_start3A_124 : memref<128x128xf32, #tpu.memory_space<hbm>>) target_semaphore(%arg9 : memref<!tpu.dma_semaphore, #tpu.memory_space<semaphore_mem>>)
    %dma_wait3A_128 = arith.constant 0 : i32
    %dma_wait3A_129 = arith.constant 0 : i32
    %dma_wait3A_130 = tpu.memref_slice %arg6[%dma_wait3A_128, %dma_wait3A_129] : memref<512x128xf32, #tpu.memory_space<vmem>> -> memref<128x128xf32, #tpu.memory_space<vmem>>
    %dma_wait3A_131 = arith.constant 0 : i32
    %dma_wait3A_132 = tpu.memref_slice %arg4[%add3A_57, %dma_wait3A_131] : memref<16384x256xf32, #tpu.memory_space<hbm>> -> memref<128x128xf32, #tpu.memory_space<hbm>>
    %dma_wait3A_133 = arith.constant 0 : i32
    %dma_wait3A_134 = tpu.memref_slice %arg4[%add3A_57, %dma_wait3A_133] : memref<16384x256xf32, #tpu.memory_space<hbm>> -> memref<128x128xf32, #tpu.memory_space<hbm>>
    %dma_wait3A_135 = arith.constant 0 : i32
    %dma_wait3A_136 = arith.constant 0 : i32
    %dma_wait3A_137 = tpu.memref_slice %arg6[%dma_wait3A_135, %dma_wait3A_136] : memref<512x128xf32, #tpu.memory_space<vmem>> -> memref<128x128xf32, #tpu.memory_space<vmem>>
    tpu.wait_dma2 semaphore(%arg9 : memref<!tpu.dma_semaphore, #tpu.memory_space<semaphore_mem>>) src(%dma_wait3A_137 : memref<128x128xf32, #tpu.memory_space<vmem>>) dst(%dma_wait3A_134 : memref<128x128xf32, #tpu.memory_space<hbm>>)
    %dma_wait3A_138 = arith.constant 128 : i32
    %dma_wait3A_139 = arith.constant 0 : i32
    %dma_wait3A_140 = tpu.memref_slice %arg6[%dma_wait3A_138, %dma_wait3A_139] : memref<512x128xf32, #tpu.memory_space<vmem>> -> memref<128x128xf32, #tpu.memory_space<vmem>>
    %dma_wait3A_141 = arith.constant 0 : i32
    %dma_wait3A_142 = tpu.memref_slice %arg4[%add3A_77, %dma_wait3A_141] : memref<16384x256xf32, #tpu.memory_space<hbm>> -> memref<128x128xf32, #tpu.memory_space<hbm>>
    %dma_wait3A_143 = arith.constant 0 : i32
    %dma_wait3A_144 = tpu.memref_slice %arg4[%add3A_77, %dma_wait3A_143] : memref<16384x256xf32, #tpu.memory_space<hbm>> -> memref<128x128xf32, #tpu.memory_space<hbm>>
    %dma_wait3A_145 = arith.constant 128 : i32
    %dma_wait3A_146 = arith.constant 0 : i32
    %dma_wait3A_147 = tpu.memref_slice %arg6[%dma_wait3A_145, %dma_wait3A_146] : memref<512x128xf32, #tpu.memory_space<vmem>> -> memref<128x128xf32, #tpu.memory_space<vmem>>
    tpu.wait_dma2 semaphore(%arg9 : memref<!tpu.dma_semaphore, #tpu.memory_space<semaphore_mem>>) src(%dma_wait3A_147 : memref<128x128xf32, #tpu.memory_space<vmem>>) dst(%dma_wait3A_144 : memref<128x128xf32, #tpu.memory_space<hbm>>)
    %dma_wait3A_148 = arith.constant 256 : i32
    %dma_wait3A_149 = arith.constant 0 : i32
    %dma_wait3A_150 = tpu.memref_slice %arg6[%dma_wait3A_148, %dma_wait3A_149] : memref<512x128xf32, #tpu.memory_space<vmem>> -> memref<128x128xf32, #tpu.memory_space<vmem>>
    %dma_wait3A_151 = arith.constant 0 : i32
    %dma_wait3A_152 = tpu.memref_slice %arg4[%add3A_97, %dma_wait3A_151] : memref<16384x256xf32, #tpu.memory_space<hbm>> -> memref<128x128xf32, #tpu.memory_space<hbm>>
    %dma_wait3A_153 = arith.constant 0 : i32
    %dma_wait3A_154 = tpu.memref_slice %arg4[%add3A_97, %dma_wait3A_153] : memref<16384x256xf32, #tpu.memory_space<hbm>> -> memref<128x128xf32, #tpu.memory_space<hbm>>
    %dma_wait3A_155 = arith.constant 256 : i32
    %dma_wait3A_156 = arith.constant 0 : i32
    %dma_wait3A_157 = tpu.memref_slice %arg6[%dma_wait3A_155, %dma_wait3A_156] : memref<512x128xf32, #tpu.memory_space<vmem>> -> memref<128x128xf32, #tpu.memory_space<vmem>>
    tpu.wait_dma2 semaphore(%arg9 : memref<!tpu.dma_semaphore, #tpu.memory_space<semaphore_mem>>) src(%dma_wait3A_157 : memref<128x128xf32, #tpu.memory_space<vmem>>) dst(%dma_wait3A_154 : memref<128x128xf32, #tpu.memory_space<hbm>>)
    %dma_wait3A_158 = arith.constant 384 : i32
    %dma_wait3A_159 = arith.constant 0 : i32
    %dma_wait3A_160 = tpu.memref_slice %arg6[%dma_wait3A_158, %dma_wait3A_159] : memref<512x128xf32, #tpu.memory_space<vmem>> -> memref<128x128xf32, #tpu.memory_space<vmem>>
    %dma_wait3A_161 = arith.constant 0 : i32
    %dma_wait3A_162 = tpu.memref_slice %arg4[%add3A_117, %dma_wait3A_161] : memref<16384x256xf32, #tpu.memory_space<hbm>> -> memref<128x128xf32, #tpu.memory_space<hbm>>
    %dma_wait3A_163 = arith.constant 0 : i32
    %dma_wait3A_164 = tpu.memref_slice %arg4[%add3A_117, %dma_wait3A_163] : memref<16384x256xf32, #tpu.memory_space<hbm>> -> memref<128x128xf32, #tpu.memory_space<hbm>>
    %dma_wait3A_165 = arith.constant 384 : i32
    %dma_wait3A_166 = arith.constant 0 : i32
    %dma_wait3A_167 = tpu.memref_slice %arg6[%dma_wait3A_165, %dma_wait3A_166] : memref<512x128xf32, #tpu.memory_space<vmem>> -> memref<128x128xf32, #tpu.memory_space<vmem>>
    tpu.wait_dma2 semaphore(%arg9 : memref<!tpu.dma_semaphore, #tpu.memory_space<semaphore_mem>>) src(%dma_wait3A_167 : memref<128x128xf32, #tpu.memory_space<vmem>>) dst(%dma_wait3A_164 : memref<128x128xf32, #tpu.memory_space<hbm>>)
    return
  }
}

module attributes {stable_mosaic.version = 14 : i64} {
  func.func @_tc_body(%arg0: i32, %arg1: memref<8192x101xi8, #tpu.memory_space<vmem>>, %arg2: memref<128x100xf32, #tpu.memory_space<vmem>>, %arg3: memref<16384x256xf32, #tpu.memory_space<hbm>>, %arg4: memref<8192x128xf32, #tpu.memory_space<vmem>>) attributes {dimension_semantics = [#tpu.dimension_semantics<parallel>], iteration_bounds = array<i64: 2>, scalar_prefetch = 0 : i64, scratch_operands = 0 : i64, tpu.core_type = #tpu.core_type<tc>, window_params = [{transform_indices = @transform_0, window_bounds = array<i64: 8192, 101>}, {pipeline_mode = #tpu.pipeline_mode<synchronous>, transform_indices = @transform_1, window_bounds = array<i64: 128, 100>}, {}, {transform_indices = @transform_3, window_bounds = array<i64: 8192, 128>}]} {
    %get3A = arith.constant 0 : index
    %get3A_0 = arith.constant 0 : index
    %get3A_1 = vector.load %arg1[%get3A, %get3A_0] : memref<8192x101xi8, #tpu.memory_space<vmem>>, vector<8192x101xi8>
    %convert_element_type3A = arith.sitofp %get3A_1 : vector<8192x101xi8> to vector<8192x101xbf16>
    %broadcast_in_dim3A = arith.constant 0.000000e+00 : bf16
    %broadcast_in_dim3A_2 = vector.broadcast %broadcast_in_dim3A : bf16 to vector<128x1xbf16>
    %get3A_3 = arith.constant 0 : index
    %get3A_4 = arith.constant 0 : index
    %get3A_5 = vector.load %arg2[%get3A_3, %get3A_4] : memref<128x100xf32, #tpu.memory_space<vmem>>, vector<128x100xf32>
    %convert_element_type3A_6 = arith.truncf %get3A_5 : vector<128x100xf32> to vector<128x100xbf16>
    %concatenate3A = tpu.concatenate %broadcast_in_dim3A_2, %convert_element_type3A_6 in 1 : vector<128x1xbf16>, vector<128x100xbf16> -> vector<128x101xbf16>
    %dot_general3A = arith.constant dense<0.000000e+00> : vector<8192x128xf32>
    %dot_general3A_7 = tpu.matmul %convert_element_type3A, %concatenate3A, %dot_general3A {dimension_numbers = #tpu.dot_dimension_numbers<[1], [1], [0], [0], [0, 0, 1, 0], [], []>, transpose_lhs_hint = false} : vector<8192x101xbf16>, vector<128x101xbf16>, vector<8192x128xf32> -> vector<8192x128xf32>
    %convert_element_type3A_8 = arith.sitofp %get3A_1 : vector<8192x101xi8> to vector<8192x101xf32>
    %reduce_sum3A = arith.constant dense<0.000000e+00> : vector<8192xf32>
    %reduce_sum3A_9 = vector.multi_reduction <add>, %convert_element_type3A_8, %reduce_sum3A [1] : vector<8192x101xf32> to vector<8192xf32>
    %broadcast_in_dim3A_10 = vector.shape_cast %reduce_sum3A_9 : vector<8192xf32> to vector<8192x1xf32>
    %slice3A = vector.extract_strided_slice %convert_element_type3A_8 {offsets = [0, 0], sizes = [8192, 1], strides = [1, 1]} : vector<8192x101xf32> to vector<8192x1xf32>
    %sub3A = arith.subf %broadcast_in_dim3A_10, %slice3A : vector<8192x1xf32>
    %div3A = vector.broadcast %sub3A : vector<8192x1xf32> to vector<8192x128xf32>
    %div3A_11 = arith.divf %dot_general3A_7, %div3A : vector<8192x128xf32>
    %swap3A = arith.constant 0 : index
    %swap3A_12 = arith.constant 0 : index
    %swap3A_13 = vector.load %arg4[%swap3A, %swap3A_12] : memref<8192x128xf32, #tpu.memory_space<vmem>>, vector<8192x128xf32>
    tpu.vector_store %arg4[%swap3A, %swap3A_12], %div3A_11 {strides = array<i32>} : memref<8192x128xf32, #tpu.memory_space<vmem>>, vector<8192x128xf32>,
    return
  }
  func.func @transform_0(%arg0: i32) -> (i32, i32) {
    %c0_i32 = arith.constant 0 : i32
    %c0_i32_0 = arith.constant 0 : i32
    return %arg0, %c0_i32 : i32, i32
  }
  func.func @transform_1(%arg0: i32) -> (i32, i32) {
    %c0_i32 = arith.constant 0 : i32
    %c0_i32_0 = arith.constant 0 : i32
    %c0_i32_1 = arith.constant 0 : i32
    return %c0_i32, %c0_i32_0 : i32, i32
  }
  func.func @transform_3(%arg0: i32) -> (i32, i32) {
    %c1_i32 = arith.constant 1 : i32
    %c0_i32 = arith.constant 0 : i32
    return %arg0, %c1_i32 : i32, i32
  }
}

</mosaic_0001>

<sc_bundles>
// kernel: kernel.4.cloned.1.call-start
scs
__scs_entry_jumppad:
0x0: {  	(pc) =	sbr.rel $0x88, $3  }
0x1: {  	(tag) =	ssettag $0x0;
	lr =	simm.s32 $0x1  }
0x2: {  	[smem:$0x3F9E] =	sst lr;
	_ =	strace $0xD0000000  }
0x3: {  	_ = 	snop  }
0x4: {  	_ = 	snop  }
0x5: {  	_ = 	snop  }
0x6: {  	_ = 	snop  }
0x7: {  	_ = 	snop  }
__scs_overlays_trampoline_lowered:
0x8: {  	[smem:$0x3FAD] =	sst s0  }
0x9: {  	[smem:$0x3FAE] =	sst s1  }
0xa: {  	[smem:$0x3FAF] =	sst s2  }
0xb: {  	[smem:$0x3FB0] =	sst s3  }
0xc: {  	[smem:$0x3FB1] =	sst s4  }
0xd: {  	[smem:$0x3FB2] =	sst s5  }
0xe: {  	[smem:$0x3FB3] =	sst s6  }
0xf: {  	[smem:$0x3FB4] =	sst s7  }
0x10: {  	[smem:$0x3FB5] =	sst s8  }
0x11: {  	[smem:$0x3FB6] =	sst s9;
	s0 =	simm.s32 @!p0 $0x0  }
0x12: {  	s1 =	sld [smem:$0x3F9C];
	s0 =	simm.s32 @p0 $0x1  }
0x13: {  	[smem:$0x3FB7] =	sst s0;
	s0 =	simm.s32 @!p1 $0x0  }
0x14: {  	s2 =	sld [smem:$0x3F9B];
	s0 =	simm.s32 @p1 $0x1  }
0x15: {  	[smem:$0x3FB8] =	sst s0;
	s0 =	simm.s32 @!p2 $0x0  }
0x16: {  	s3 =	sld [smem:$0x3FDB];
	s0 =	simm.s32 @p2 $0x1  }
0x17: {  	s4 =	simm.s32 $0x1BF5;
	[smem:$0x3FBA] =	sst s0  }
0x18: {  	s0 =	sld [smem:$0x3F9D];
	_ =	swait.ge [sflag:s4], $0x0  }
0x19: {  	s7 =	sld [smem:$0x3F9E]  }
0x1a: {  	s8 =	sadd.s32 $0xFFFFE003, lr  }
0x1b: {  	s9 =	sadd.s32 $0xFFFFFEF7, lr;
	s5 =	simm.s32 $0xFFFFFFFF;
	p2 =	slt.u32 s8, $0xFFFFF086  }
0x1c: {  	p1 =	slt.u32 s9, $0xF7A;
	s5 =	simm.s32 @!p2 $0x0  }
0x1d: {  	s5 =	simm.s32 @p1 $0x1;
	p0 =	seq.s32 s7, s2  }
0x1e: {  	s7 =	smul.u32 @!p0 $0xF7A, s2;
	p2 =	seq.s32 @!p0 s5, $0x0  }
0x1f: {  	s9 =	smul.u32 $0xF7A, s1;
	s8 =	simm.s32 @!p0 $0x1BF5;
	p2 =	por !p2, p0  }
0x20: {  	[sflag:s8] =	ssyncset.s32 @!p0 $0xFFFFF086;
	s6 =	sadd.s32 @!p0 s3, s7;
	s7 =	simm.s32 @!p0 $0x108  }
0x21: {  	s3 =	sadd.s32 s3, s9;
	s6 =	sadd.s32 @!p0 $0x88, s6;
	s7 =	simm.s32 @p2 $0x1082  }
0x22: {  	[simem:s7], [sflag:s8] =	dma.local @!p0 [hbm:s6], $0xF7A  }
0x23: {  	s9 =	sor.u32 $0xD0000000, s2;
	s6 =	simm.s32 $0x108;
	_ =	swait.ge @!p0 [sflag:s8], $0x0  }
0x24: {  	s3 =	sadd.s32 $0x88, s3;
	s6 =	simm.s32 @!p1 $0x1082;
	[sflag:s4] =	ssyncset.s32 $0xFFFFF086  }
0x25: {  	[simem:s6], [sflag:s4] =	dma.local [hbm:s3], $0xF7A  }
0x26: {  	[smem:$0x3F9E] =	sst s1;
	(tag) =	ssettag s2;
	_ =	strace s9  }
0x27: {  	s1 =	sld [smem:$0x3FAE]  }
0x28: {  	s2 =	sld [smem:$0x3FAF]  }
0x29: {  	s4 =	sld [smem:$0x3FB1]  }
0x2a: {  	p0 =	seq.s32 s5, $0x0;
	s5 =	sld [smem:$0x3FB2]  }
0x2b: {  	s6 =	sld [smem:$0x3FB3]  }
0x2c: {  	s7 =	sld [smem:$0x3FB4]  }
0x2d: {  	s3 =	simm.s32 $0x108;
	s8 =	sld [smem:$0x3FB5]  }
0x2e: {  	s3 =	simm.s32 @!p0 $0x1082;
	s9 =	sld [smem:$0x3FB6]  }
0x2f: {  	lr =	sadd.s32 s0, s3;
	s0 =	sld [smem:$0x3FAD]  }
0x30: {  	s3 =	sld [smem:$0x3FB0]  }
0x31: {  	[smem:$0x3FB9] =	sst s10  }
0x32: {  	s10 =	sld [smem:$0x3FB7];
	_ =	sdelay $0x3  }
0x33: {  	p0 =	seq.s32 s10, $0x1;
	s10 =	sld [smem:$0x3FB9];
	_ =	sdelay $0x3  }
0x34: {  	[smem:$0x3FB9] =	sst s10  }
0x35: {  	s10 =	sld [smem:$0x3FB8];
	_ =	sdelay $0x3  }
0x36: {  	p1 =	seq.s32 s10, $0x1;
	s10 =	sld [smem:$0x3FB9];
	_ =	sdelay $0x3  }
0x37: {  	[smem:$0x3FB9] =	sst s10  }
0x38: {  	s10 =	sld [smem:$0x3FBA]  }
0x39: {  	_ = 	snop;
	(pc) =	sbr.ind lr, $3  }
0x3a: {  	_ = 	snop  }
0x3b: {  	_ = 	snop  }
0x3c: {  	p2 =	seq.s32 s10, $0x1;
	s10 =	sld [smem:$0x3FB9]  }
0x3d: {  	_ =	shalt  }
0x3e: {  	_ =	shalt  }
0x3f: {  	_ =	shalt  }
0x40: {  	_ =	shalt  }
0x41: {  	_ =	shalt  }
0x42: {  	_ =	shalt  }
0x43: {  	_ =	shalt  }
0x44: {  	_ =	shalt  }
0x45: {  	_ =	shalt  }
0x46: {  	_ =	shalt  }
0x47: {  	_ =	shalt  }
0x48: {  	_ =	shalt  }
0x49: {  	_ =	shalt  }
0x4a: {  	_ =	shalt  }
0x4b: {  	_ =	shalt  }
0x4c: {  	_ =	shalt  }
0x4d: {  	_ =	shalt  }
0x4e: {  	_ =	shalt  }
0x4f: {  	_ =	shalt  }
0x50: {  	_ =	shalt  }
0x51: {  	_ =	shalt  }
0x52: {  	_ =	shalt  }
0x53: {  	_ =	shalt  }
0x54: {  	_ =	shalt  }
0x55: {  	_ =	shalt  }
0x56: {  	_ =	shalt  }
0x57: {  	_ =	shalt  }
0x58: {  	_ =	shalt  }
0x59: {  	_ =	shalt  }
0x5a: {  	_ =	shalt  }
0x5b: {  	_ =	shalt  }
0x5c: {  	_ =	shalt  }
0x5d: {  	_ =	shalt  }
0x5e: {  	_ =	shalt  }
0x5f: {  	_ =	shalt  }
0x60: {  	_ =	shalt  }
0x61: {  	_ =	shalt  }
0x62: {  	_ =	shalt  }
0x63: {  	_ =	shalt  }
0x64: {  	_ =	shalt  }
0x65: {  	_ =	shalt  }
0x66: {  	_ =	shalt  }
0x67: {  	_ =	shalt  }
0x68: {  	_ =	shalt  }
0x69: {  	_ =	shalt  }
0x6a: {  	_ =	shalt  }
0x6b: {  	_ =	shalt  }
0x6c: {  	_ =	shalt  }
0x6d: {  	_ =	shalt  }
0x6e: {  	_ =	shalt  }
0x6f: {  	_ =	shalt  }
0x70: {  	_ =	shalt  }
0x71: {  	_ =	shalt  }
0x72: {  	_ =	shalt  }
0x73: {  	_ =	shalt  }
0x74: {  	_ =	shalt  }
0x75: {  	_ =	shalt  }
0x76: {  	_ =	shalt  }
0x77: {  	_ =	shalt  }
0x78: {  	_ =	shalt  }
0x79: {  	_ =	shalt  }
0x7a: {  	_ =	shalt  }
0x7b: {  	_ =	shalt  }
0x7c: {  	_ =	shalt  }
0x7d: {  	_ =	shalt  }
0x7e: {  	_ =	shalt  }
0x7f: {  	_ =	shalt  }
0x80: {  	_ =	shalt  }
0x81: {  	_ =	shalt  }
0x82: {  	_ =	shalt  }
0x83: {  	_ =	shalt  }
0x84: {  	_ =	shalt  }
0x85: {  	_ =	shalt  }
0x86: {  	_ =	shalt  }
0x87: {  	_ =	shalt  }
.Lfunc_end0:
.L_simem_size_0:
called_computation_lowered:
.L_overlay_start_0:
0x88: {  	s2 =	sld [smem:$0x3FD9]  }
0x89: {  	s3 =	sld [smem:$0x3FFE];
	_ =	sdelay $0x1  }
0x8a: {  	s1 =	srdreg.scid  }
0x8b: {  	s0 =	sand.u32 $0x1, s1  }
0x8c: {  	s17 =	sshll.u32 s0, $0xA;
	s2 =	sadd.s32 s3, s2  }
0x8d: {  	s2 =	sadd.s32 s2, s17  }
0x8e: {  	[smem:$0x3FC5] =	sst s2  }
0x8f: {  	_ = 	snop  }
0x90: {  	s2 =	sld [smem:$0x3FC8]  }
0x91: {  	s18 =	sld [smem:$0x3FD0];
	(tm) =	ssettm $0x1  }
0x92: {  	s4 =	sld [smem:$0x3FFB];
	_ =	sdelay $0x3  }
0x93: {  	_ =	strace s4  }
0x94: {  	s4 =	sld [smem:$0x3FFC];
	_ =	sdelay $0x3  }
0x95: {  	_ =	strace s4  }
0x96: {  	s4 =	sld [smem:$0x3FFD];
	_ =	sdelay $0x3  }
0x97: {  	_ =	strace s4  }
0x98: {  	_ =	strace $0x8FFFFFFF  }
0x99: {  	s19 =	sld [smem:$0x3FDB];
	_ =	sdelay $0x1  }
0x9a: {  	s5 =	simm.s32 $_scs_section_size  }
0x9b: {  	s6 =	simm.s32 $_size__tile_overlayer_lowered;
	s7 =	simm.s32 $_tile_overlayer_lowered  }
0x9c: {  	s22 =	simm.s32 $0x1BFF;
	s21 =	sshll.u32 s7, $0x1;
	s4 =	sadd.s32 s5, s19  }
0x9d: {  	s8 =	simm.s32 $0x0;
	s20 =	sshll.u32 s6, $0x1;
	s6 =	sadd.s32 s21, s4  }
0x9e: {  	[timem:s8], [sflag:s22] =	dma.local [hbm:s6], s20  }
0x9f: {  	_ =	swait.ge [sflag:s22], s20  }
0xa0: {  	s5 =	ssub.s32 $0x0, s20;
	[sflag:s22] =	ssyncset.done $0x0  }
0xa1: {  	[sflag:s22] =	ssyncadd.s32 s5;
	_ =	sdelay $0x1  }
0xa2: {  	s23 =	simm.s32 $0x1B8B  }
0xa3: {  	_ =	swait.ge [sflag:s23], $0x1  }
0xa4: {  	[sflag:s23] =	ssyncset.done $0x0  }
0xa5: {  	s25 =	simm.s32 $0x1B8E;
	s24 =	sld [smem:$0x3FFE];
	[sflag:s23] =	ssyncadd.s32 $0xFFFFFFFF  }
0xa6: {  	s26 =	simm.s32 $execute0_lowered;
	[smem:$0x3FD2] =	sst s25  }
0xa7: {  	s6 =	sshll.u32 s26, $0x1;
	_ =	strace $0x80000046;
	[dreg:$0x1] =	wrdreg $0xFFFFFFFF  }
0xa8: {  	s28 =	simm.s32 $_size_execute0_lowered;
	s4 =	sadd.s32 s4, s6;
	[dreg:$0x0] =	wrdreg $0x0  }
0xa9: {  	s6 =	sshll.u32 s28, $0x1;
	[dreg:$0x2] =	wrdreg s4  }
0xaa: {  	[dreg:$0x3] =	wrdreg s6  }
0xab: {  	[dreg:$0x4] =	wrdreg $0xC0  }
0xac: {  	_ =	task [dreg:s8], $0x5FFFF  }
0xad: {  	[dreg:$0x1] =	wrdreg $0xFFFFFFFF  }
0xae: {  	[dreg:$0x0] =	wrdreg $0x60  }
0xaf: {  	[dreg:$0x2] =	wrdreg s2  }
0xb0: {  	[dreg:$0x3] =	wrdreg s24  }
0xb1: {  	[dreg:$0x4] =	wrdreg s18  }
0xb2: {  	[dreg:$0x5] =	wrdreg $0x102000  }
0xb3: {  	[dreg:$0x6] =	wrdreg $0x9  }
0xb4: {  	_ =	task.clear_ibuf [dreg:s8], $0x7FFFF;
	_ =	strace $0x90000046  }
0xb5: {  	s29 =	simm.s32 $0x9;
	_ =	strace $0x80000048  }
0xb6: {  	_ =	swait.ge [sflag:s29], $0x1  }
0xb7: {  	[sflag:s29] =	ssyncadd.s32 $0xFFFFFFFF  }
0xb8: {  	_ =	strace $0x90000048  }
0xb9: {  	_ =	sfence  }
0xba: {  	s30 =	sld [smem:$0x0];
	_ =	sdelay $0x2  }
0xbb: {  	s31 =	sshll.u32 s1, $0xD;
	s1 =	sshrl.u32 s1, $0x2  }
0xbc: {  	s3 =	sand.u32 $0x4000, s31;
	s1 =	sadd.s32 s1, s30  }
0xbd: {  	s0 =	sor.u32 s3, s0;
	s1 =	sshll.u32 s1, $0x11  }
0xbe: {  	s0 =	sor.u32 s1, s0  }
0xbf: {  	s0 =	sadd.s32 $0x8F2B, s0  }
0xc0: {  	[sflag:s0] =	ssyncadd.remote.s32 $0x1  }
0xc1: {  	_ =	sfence.sel $0xFFFF  }
0xc2: {  	[dreg:$0x0] =	wrdreg $0xFFFFFFFF;
	(pc) =	sbr.abs _section_cstart, $3  }
0xc3: {  	[dreg:$0x1] =	wrdreg $0xFFFFFFFF  }
0xc4: {  	_ =	task.clear_ibuf [dreg:s8], $0x2FFFF;
	_ =	strace $0x9FFFFFFF  }
0xc5: {  	(tm) =	ssettm $0x7FFFFFFF  }
tec
execute0_lowered:
.L_overlay_start_1:
0x0: {  	(tag) =	ssettag $0x1  }
0x1: {  	s4 =	rddreg [dreg:$0x0]  }
0x2: {  	s5 =	rddreg [dreg:$0x1]  }
0x3: {  	s16 =	rddreg [dreg:$0x2]  }
0x4: {  	s2 =	rddreg [dreg:$0x3];
	s3 =	srdreg.scid  }
0x5: {  	s0 =	rddreg [dreg:$0x4];
	s1 =	stileid.u32;
	s23 =	sand.u32 $0x1, s3  }
0x6: {  	s3 =	simm.s32 $0x0;
	s6 =	sshll.u32 s1, $0xA;
	s30 =	sshll.u32 s1, $0x6  }
0x7: {  	s7 =	sshll.u32 s23, $0x9;
	[smem:$0x7FF] =	sst s3;
	s8 =	smin.u32 s30, $0x3A8  }
0x8: {  	s17 =	sor.u32 s7, s6;
	_ =	strace $0x80000047;
	s31 =	sshll.u32 s8, $0x7  }
0x9: {  	s8 =	sshll.u32 s8, $0x4;
	s7 =	sshrl.u32 s17, $0x3;
	s9 =	sadd.s32 s31, s2  }
0xa: {  	s4 =	sadd.s32 s4, s8;
	s8 =	simm.s32 $0x1;
	s7 =	sadd.s32 s7, s5  }
0xb: {  	s5 =	sor.u32 $0x1C01, s30;
	s6 =	sadd.s32 $0x800, s7;
	s7 =	sshrl.u32 s9, $0x3  }
0xc: {  	[spmem:s7], [sflag:s5] =	dma.local [hbm:s4], $0x400  }
0xd: {  	[tilespmem:s3], [sflag:$0x1] =	stream.linear.gather [hbm4b:s6+s3], $0x200, $0x38;
	[tilespmem:$0x12140] =	vst v63  }
0xe: {  	_ =	swait.ge [sflag:s8], $0x400  }
0xf: {  	[sflag:s8] =	ssyncset.done $0x0  }
0x10: {  	[sflag:s8] =	ssyncadd.s32 $0xFFFFFC00  }
0x11: {  	_ =	swait.ge [sflag:s8], $0x200  }
0x12: {  	[sflag:s8] =	ssyncset.done $0x0  }
0x13: {  	[sflag:s8] =	ssyncadd.s32 $0xFFFFFE00  }
0x14: {  	s10 =	simm.s32 $0x200;
	s9 =	simm.s32 $0x80;
	[bflag:$0x0] =	sbarrier.arrive $0xFFFF  }
0x15: {  	[tilespmem:s10], [sflag:$0x1] =	stream.indirect.gather [spmem:s2], $0x80, s3, s9, $0xb8;
	[tilespmem:$0x12140] =	vst v63  }
0x16: {  	s11 =	simm.s32 $0x4200  }
0x17: {  	[tilespmem:s11], [sflag:$0x1] =	stream.indirect.gather [spmem:s2], $0x80, s9, s9, $0xb8;
	[tilespmem:$0x12140] =	vst v63  }
0x18: {  	s12 =	simm.s32 $0x100;
	s13 =	simm.s32 $0x8200  }
0x19: {  	[tilespmem:s13], [sflag:$0x1] =	stream.indirect.gather [spmem:s2], $0x80, s12, s9, $0xb8;
	[tilespmem:$0x12140] =	vst v63  }
0x1a: {  	s14 =	simm.s32 $0x180;
	s15 =	simm.s32 $0xC200  }
0x1b: {  	[tilespmem:s15], [sflag:$0x1] =	stream.indirect.gather [spmem:s2], $0x80, s14, s9, $0xb8;
	[tilespmem:$0x12140] =	vst v63  }
0x1c: {  	_ =	swait.ge [sflag:s8], $0x4000  }
0x1d: {  	s18 =	simm.s32 $0x800;
	s17 =	sshll.u32 s17, $0x5;
	[sflag:s8] =	ssyncset.done $0x0  }
0x1e: {  	s16 =	sadd.s32 s16, s17;
	s17 =	simm.s32 $0x400;
	[sflag:s8] =	ssyncadd.s32 $0xFFFFC000  }
0x1f: {  	[hbm4b:s16+s17] =	stream.strided.scatter [tilespmem:s10], [sflag:$0x2], $0x4000, s18, s17, $0x38;
	[tilespmem:$0x12140] =	vst v63  }
0x20: {  	_ =	swait.ge [sflag:s8], $0x4000  }
0x21: {  	[sflag:s8] =	ssyncset.done $0x0  }
0x22: {  	s19 =	sadd.s32 $0x1000, s16;
	[sflag:s8] =	ssyncadd.s32 $0xFFFFC000  }
0x23: {  	[hbm4b:s19+s17] =	stream.strided.scatter [tilespmem:s11], [sflag:$0x2], $0x4000, s18, s17, $0x38;
	[tilespmem:$0x12140] =	vst v63  }
0x24: {  	_ =	swait.ge [sflag:s8], $0x4000  }
0x25: {  	[sflag:s8] =	ssyncset.done $0x0  }
0x26: {  	s20 =	sadd.s32 $0x2000, s16;
	[sflag:s8] =	ssyncadd.s32 $0xFFFFC000  }
0x27: {  	[hbm4b:s20+s17] =	stream.strided.scatter [tilespmem:s13], [sflag:$0x2], $0x4000, s18, s17, $0x38;
	[tilespmem:$0x12140] =	vst v63  }
0x28: {  	_ =	swait.ge [sflag:s8], $0x4000  }
0x29: {  	[sflag:s8] =	ssyncset.done $0x0  }
0x2a: {  	s21 =	simm.s32 $0x2;
	s22 =	sadd.s32 $0x3000, s16;
	[sflag:s8] =	ssyncadd.s32 $0xFFFFC000  }
0x2b: {  	[hbm4b:s22+s17] =	stream.strided.scatter [tilespmem:s15], [sflag:$0x2], $0x4000, s18, s17, $0x38;
	[tilespmem:$0x12140] =	vst v63  }
0x2c: {  	_ =	swait.ge [sflag:s21], $0x4000  }
0x2d: {  	s23 =	ssub.s32 $0x2, s23;
	[sflag:s21] =	ssyncset.done $0x0  }
0x2e: {  	s24 =	sshrl.u32 s23, $0x1;
	[sflag:s21] =	ssyncadd.s32 $0xFFFFC000  }
0x2f: {  	s23 =	ssub.s32 s23, s24;
	_ =	swait.ge [sflag:s21], $0x4000  }
0x30: {  	s23 =	smax.u32 s23, $0x1;
	[sflag:s21] =	ssyncset.done $0x0  }
0x31: {  	p0 =	sne.s32 s23, $0x1;
	[sflag:s21] =	ssyncadd.s32 $0xFFFFC000  }
.Ltmp0:
0x32: {  	_ =	swait.ge [sflag:s21], $0x4000;
	(pc) =	sbr.rel @!p0 .LBB2_2-.Ltmp0, $4  }
0x33: {  	[sflag:s21] =	ssyncset.done $0x0  }
0x34: {  	[sflag:s21] =	ssyncadd.s32 $0xFFFFC000  }
0x35: {  	_ =	swait.ge [sflag:s21], $0x4000  }
0x36: {  	s23 =	sadd.s32 $0xFFFFFFFF, s23;
	[sflag:s21] =	ssyncset.done $0x0  }
.LBB2_1:
0x37: {  	p0 =	sne.s32 s23, $0x1;
	s23 =	sadd.s32 $0xFFFFFFFF, s23;
	[sflag:s21] =	ssyncadd.s32 $0xFFFFC000  }
0x38: {  	[spmem:s7], [sflag:s5] =	dma.local [hbm:s4], $0x400  }
0x39: {  	[tilespmem:s3], [sflag:$0x1] =	stream.linear.gather [hbm4b:s6+s3], $0x200, $0x38;
	[tilespmem:$0x12140] =	vst v63  }
0x3a: {  	_ =	swait.ge [sflag:s8], $0x400  }
0x3b: {  	[sflag:s8] =	ssyncset.done $0x0  }
0x3c: {  	[sflag:s8] =	ssyncadd.s32 $0xFFFFFC00  }
0x3d: {  	_ =	swait.ge [sflag:s8], $0x200  }
0x3e: {  	[sflag:s8] =	ssyncset.done $0x0  }
0x3f: {  	[sflag:s8] =	ssyncadd.s32 $0xFFFFFE00  }
0x40: {  	[bflag:$0x0] =	sbarrier.arrive $0xFFFF  }
0x41: {  	[tilespmem:s10], [sflag:$0x1] =	stream.indirect.gather [spmem:s2], $0x80, s3, s9, $0xb8;
	[tilespmem:$0x12140] =	vst v63  }
0x42: {  	_ = 	snop  }
0x43: {  	[tilespmem:s11], [sflag:$0x1] =	stream.indirect.gather [spmem:s2], $0x80, s9, s9, $0xb8;
	[tilespmem:$0x12140] =	vst v63  }
0x44: {  	_ = 	snop  }
0x45: {  	[tilespmem:s13], [sflag:$0x1] =	stream.indirect.gather [spmem:s2], $0x80, s12, s9, $0xb8;
	[tilespmem:$0x12140] =	vst v63  }
0x46: {  	_ = 	snop  }
0x47: {  	[tilespmem:s15], [sflag:$0x1] =	stream.indirect.gather [spmem:s2], $0x80, s14, s9, $0xb8;
	[tilespmem:$0x12140] =	vst v63  }
0x48: {  	_ =	swait.ge [sflag:s8], $0x4000  }
0x49: {  	[sflag:s8] =	ssyncset.done $0x0  }
0x4a: {  	[sflag:s8] =	ssyncadd.s32 $0xFFFFC000  }
0x4b: {  	[hbm4b:s16+s17] =	stream.strided.scatter [tilespmem:s10], [sflag:$0x2], $0x4000, s18, s17, $0x38;
	[tilespmem:$0x12140] =	vst v63  }
0x4c: {  	_ =	swait.ge [sflag:s8], $0x4000  }
0x4d: {  	[sflag:s8] =	ssyncset.done $0x0  }
0x4e: {  	[sflag:s8] =	ssyncadd.s32 $0xFFFFC000  }
0x4f: {  	[hbm4b:s19+s17] =	stream.strided.scatter [tilespmem:s11], [sflag:$0x2], $0x4000, s18, s17, $0x38;
	[tilespmem:$0x12140] =	vst v63  }
0x50: {  	_ =	swait.ge [sflag:s8], $0x4000  }
0x51: {  	[sflag:s8] =	ssyncset.done $0x0  }
0x52: {  	[sflag:s8] =	ssyncadd.s32 $0xFFFFC000  }
0x53: {  	[hbm4b:s20+s17] =	stream.strided.scatter [tilespmem:s13], [sflag:$0x2], $0x4000, s18, s17, $0x38;
	[tilespmem:$0x12140] =	vst v63  }
0x54: {  	_ =	swait.ge [sflag:s8], $0x4000  }
0x55: {  	[sflag:s8] =	ssyncset.done $0x0  }
0x56: {  	[sflag:s8] =	ssyncadd.s32 $0xFFFFC000  }
0x57: {  	[hbm4b:s22+s17] =	stream.strided.scatter [tilespmem:s15], [sflag:$0x2], $0x4000, s18, s17, $0x38;
	[tilespmem:$0x12140] =	vst v63  }
0x58: {  	_ =	swait.ge [sflag:s21], $0x4000  }
0x59: {  	[sflag:s21] =	ssyncset.done $0x0  }
0x5a: {  	[sflag:s21] =	ssyncadd.s32 $0xFFFFC000  }
0x5b: {  	_ =	swait.ge [sflag:s21], $0x4000  }
0x5c: {  	[sflag:s21] =	ssyncset.done $0x0  }
0x5d: {  	[sflag:s21] =	ssyncadd.s32 $0xFFFFC000  }
.Ltmp1:
0x5e: {  	_ =	swait.ge [sflag:s21], $0x4000;
	(pc) =	sbr.rel @p0 .LBB2_1-.Ltmp1, $4  }
0x5f: {  	[sflag:s21] =	ssyncset.done $0x0  }
0x60: {  	[sflag:s21] =	ssyncadd.s32 $0xFFFFC000  }
0x61: {  	_ =	swait.ge [sflag:s21], $0x4000  }
0x62: {  	[sflag:s21] =	ssyncset.done $0x0  }
.LBB2_2:
0x63: {  	[sflag:s21] =	ssyncadd.s32 $0xFFFFC000  }
0x64: {  	_ =	sfence.sel $0x180000  }
0x65: {  	[bflag:$0x0] =	sbarrier.arrive $0xFFFF  }
0x66: {  	p0 =	sne.s32 s1, $0x0;
	_ =	strace $0x90000047  }
0x67: {  	s0 =	sadd.s32 @!p0 $0x100000, s0;
	[bflag:$0x2] =	sbarrier.arrive $0xFFFF  }
0x68: {  	[sflag:s0] =	ssyncadd.tile.s32 @!p0 $0x1;
	_ =	shalt  }
.Lfunc_end2:
_tile_overlayer_lowered:
.L_overlay_start_2:
0x69: {  	(tag) =	ssettag $0x2  }
0x6a: {  	s0 =	rddreg [dreg:$0x0];
	s2 =	stileid.u32  }
0x6b: {  	s1 =	rddreg [dreg:$0x1];
	p0 =	sne.s32 s2, $0x0  }
0x6c: {  	s3 =	rddreg [dreg:$0x2];
	[bflag:$0x3] =	sbarrier.arrive $0xFFFF;
	s2 =	simm.s32 @!p0 $0x1C03  }
0x6d: {  	[timem:s3], [sflag:s2] =	dma.local @!p0 [hbm:s0], s1  }
0x6e: {  	s0 =	simm.s32 @!p0 $0x3  }
0x6f: {  	_ =	swait.ge @!p0 [sflag:s0], s1  }
0x70: {  	s1 =	ssub.s32 @!p0 $0x0, s1;
	[sflag:s0] =	ssyncset.done @!p0 $0x0  }
0x71: {  	[sflag:s0] =	ssyncadd.s32 @!p0 s1  }
0x72: {  	[bflag:$0x3] =	sbarrier.arrive $0xFFFF  }
0x73: {  	_ =	shalt  }

</sc_bundles>
